<compile_context>
chip_gen: v7x
topology: tpu7x:2x2x1
jax: 0.10.2.dev20260603
libtpu: 0.0.44.dev20260713+nightly
codegen_flags: <defaults>
</compile_context>

<pallas_src>
import dataclasses
import functools

import jax
import jax.numpy as jnp
from jax import lax
from jax.experimental import pallas as pl
from jax.experimental.pallas import tpu as pltpu
from jax.experimental.pallas import tpu_sc as plsc

_NUM_CORES = 1
_NUM_SUBCORES = 16
_NUM_TILES = _NUM_CORES * _NUM_SUBCORES
_LANES = 16
_BINS = 256


def _sc_compiler_params():
    cp = pltpu.CompilerParams()
    if "needs_layout_passes" in pltpu.CompilerParams.__dataclass_fields__:
        cp = dataclasses.replace(cp, needs_layout_passes=False)
    return cp


def _make_sc_histogram(num_ids: int):
    per_tile = num_ids // _NUM_TILES
    mesh = plsc.VectorSubcoreMesh(
        core_axis_name="c", subcore_axis_name="s",
        num_cores=_NUM_CORES, num_subcores=_NUM_SUBCORES)

    @functools.partial(
        pl.kernel,
        out_type=jax.ShapeDtypeStruct((_NUM_TILES, _BINS), jnp.int32),
        mesh=mesh,
        scratch_types=[
            pltpu.VMEM((per_tile,), jnp.int32),
            pltpu.VMEM((_BINS,), jnp.int32),
        ],
        compiler_params=_sc_compiler_params(),
    )
    def sc_histogram(ids_hbm, out_hbm, ids_v, hist_v):
        wid = lax.axis_index("s") * _NUM_CORES + lax.axis_index("c")
        pltpu.sync_copy(ids_hbm.at[pl.ds(wid * per_tile, per_tile)], ids_v)

        zeros = jnp.zeros((_LANES,), jnp.int32)

        @pl.loop(0, _BINS, step=_LANES)
        def _(i):
            hist_v[pl.ds(i, _LANES)] = zeros

        @pl.loop(0, per_tile, step=_LANES)
        def _(i):
            ids_vec = ids_v[pl.ds(i, _LANES)]
            counts, last = plsc.scan_count(ids_vec)
            plsc.addupdate_scatter(hist_v, [ids_vec], counts, mask=last)

        pltpu.sync_copy(hist_v, out_hbm.at[wid])

    return sc_histogram


def _tc_head(parts, emb, W1, b1, W2, b2, inv_l):
    def body(parts_ref, emb_ref, w1_ref, b1_ref, w2_ref, b2_ref, out_ref):
        hi = lax.Precision.HIGHEST
        counts = jnp.sum(parts_ref[...].astype(jnp.float32),
                         axis=0, keepdims=True)
        e = lax.dot_general(
            counts, emb_ref[...], (((1,), (0,)), ((), ())),
            precision=hi, preferred_element_type=jnp.float32) * inv_l
        h = lax.dot_general(
            e, w1_ref[...], (((1,), (1,)), ((), ())),
            preferred_element_type=jnp.float32) + b1_ref[...][None, :]
        h = jnp.maximum(h, 0.0)
        v = lax.dot_general(
            h, w2_ref[...], (((1,), (1,)), ((), ())),
            preferred_element_type=jnp.float32) + b2_ref[...][None, :]
        out_ref[...] = v[0]

    return pl.pallas_call(
        body,
        out_shape=jax.ShapeDtypeStruct((8,), jnp.float32),
    )(parts, emb, W1, b1, W2, b2)


def kernel(ids, emb, W1, b1, W2, b2):
    num_ids = ids.shape[0]
    parts = _make_sc_histogram(num_ids)(ids.astype(jnp.int32))
    return _tc_head(parts, emb, W1, b1, W2, b2, 1.0 / num_ids)

# --- scband reference (transcript-rebuilt; emitter-appended) ---
"""Pipeline reference for scband-steering-controller-16750372454438 (READ-ONLY COPY).

The authoritative reference and input builder live on the scoring server;
editing this copy changes nothing except your own understanding.
"""

import jax, jax.numpy as jnp
import numpy as np


def setup_inputs(seed: int = 0) -> dict:
    key = jax.random.key(seed)
    k_ids, k_emb, k_w1, k_b1, k_w2, k_b2 = jax.random.split(key, 6)
    ids = jax.random.randint(k_ids, (8192,), 0, 256, dtype=jnp.int64) if jax.config.jax_enable_x64 else jax.random.randint(k_ids, (8192,), 0, 256, dtype=jnp.int32)
    # learned params per module: Embedding(256, 64); Linear(64,64); Linear(64,8)
    emb = jax.random.normal(k_emb, (256, 64), dtype=jnp.float32)
    W1 = jax.random.normal(k_w1, (64, 64), dtype=jnp.float32) * (1.0 / np.sqrt(64))
    b1 = jax.random.normal(k_b1, (64,), dtype=jnp.float32) * 0.01
    W2 = jax.random.normal(k_w2, (8, 64), dtype=jnp.float32) * (1.0 / np.sqrt(64))
    b2 = jax.random.normal(k_b2, (8,), dtype=jnp.float32) * 0.01
    return {"ids": ids, "emb": emb, "W1": W1, "b1": b1, "W2": W2, "b2": b2}


def reference(ids, emb, W1, b1, W2, b2):
    # x = torch.tensor(ids).unsqueeze(0)          -> (1, L)
    # e = self.emb(x).mean(dim=1)                 -> (1, 64)
    x = jnp.take(emb, ids, axis=0)[None, :, :]    # (1, L, 64) embedding gather
    e = x.mean(axis=1)                            # (1, 64)
    # fc: Linear(64,64) -> ReLU -> Linear(64,8); torch Linear is y = x @ W.T + b
    h = jnp.maximum(e @ W1.T + b1, 0.0)
    v = h @ W2.T + b2                             # (1, 8)
    return v[0]                                   # squeeze(0) -> (8,)

if __name__ == "__main__":
    import jax
    _d = setup_inputs()
    print(jax.jit(kernel)(*tuple(_d.values())))

</pallas_src>

<mosaic_0001>
#map = affine_map<(d0, d1) -> (0)>
#map1 = affine_map<(d0, d1) -> (0, 0)>
module attributes {stable_mosaic.version = 14 : i64} {
  func.func @sc_histogram(%arg0: i32, %arg1: i32, %arg2: memref<8192xi32, #tpu.memory_space<hbm>>, %arg3: memref<16x256xi32, #tpu.memory_space<hbm>>, %arg4: memref<512xi32, #tpu.memory_space<vmem>>, %arg5: memref<256xi32, #tpu.memory_space<vmem>>) attributes {dimension_semantics = [#tpu.dimension_semantics<core_parallel>, #tpu.dimension_semantics<subcore_parallel>], iteration_bounds = array<i64: 1, 16>, scalar_prefetch = 0 : i64, scratch_operands = 2 : i64, tpu.core_type = #tpu.core_type<sc_vector_subcore>, window_params = [{transform_indices = #map}, {transform_indices = #map1}]} {
    %mul3A = arith.constant 1 : i32
    %mul3A_0 = arith.muli %arg1, %mul3A : i32
    %add3A = arith.addi %mul3A_0, %arg0 : i32
    %mul3A_1 = arith.constant 512 : i32
    %mul3A_2 = arith.muli %add3A, %mul3A_1 : i32
    "tpu.region"() ({
      %run_scoped3A = tpu.sem_alloc : memref<!tpu.dma_semaphore, #tpu.memory_space<semaphore_mem>>
      %dma_start3A = tpu.memref_slice %arg2[%mul3A_2] : memref<8192xi32, #tpu.memory_space<hbm>> -> memref<512xi32, #tpu.memory_space<hbm>>
      %dma_start3A_13 = tpu.memref_slice %arg2[%mul3A_2] : memref<8192xi32, #tpu.memory_space<hbm>> -> memref<512xi32, #tpu.memory_space<hbm>>
      tpu.enqueue_dma source(%dma_start3A_13 : memref<512xi32, #tpu.memory_space<hbm>>) target(%arg4 : memref<512xi32, #tpu.memory_space<vmem>>) target_semaphore(%run_scoped3A : memref<!tpu.dma_semaphore, #tpu.memory_space<semaphore_mem>>)
      %dma_wait3A = tpu.memref_slice %arg2[%mul3A_2] : memref<8192xi32, #tpu.memory_space<hbm>> -> memref<512xi32, #tpu.memory_space<hbm>>
      %dma_wait3A_14 = tpu.memref_slice %arg2[%mul3A_2] : memref<8192xi32, #tpu.memory_space<hbm>> -> memref<512xi32, #tpu.memory_space<hbm>>
      tpu.wait_dma2 semaphore(%run_scoped3A : memref<!tpu.dma_semaphore, #tpu.memory_space<semaphore_mem>>) src(%dma_wait3A_14 : memref<512xi32, #tpu.memory_space<hbm>>) dst(%arg4 : memref<512xi32, #tpu.memory_space<vmem>>)
      tpu.yield
    }) : () -> ()
    %broadcast_in_dim3A = arith.constant 0 : i32
    %broadcast_in_dim3A_3 = vector.broadcast %broadcast_in_dim3A : i32 to vector<16xi32>
    %scan3A = arith.constant 0 : i32
    %scan3A_4 = arith.constant 16 : i32
    %scan3A_5 = arith.addi %scan3A, %scan3A_4 : i32
    %scan3A_6 = arith.constant 1 : i32
    scf.for %scan3A_13 = %scan3A to %scan3A_5 step %scan3A_6  : i32 {
      %mul3A_14 = arith.constant 16 : i32
      %mul3A_15 = arith.muli %scan3A_13, %mul3A_14 : i32
      %add3A_16 = arith.constant 0 : i32
      %add3A_17 = arith.addi %add3A_16, %mul3A_15 : i32
      %swap3A = arith.index_cast %add3A_17 : i32 to index
      %swap3A_18 = tpu.vector_load %arg5[%swap3A] {strides = array<i32>} : memref<256xi32, #tpu.memory_space<vmem>>, vector<16xi32>,
      tpu.vector_store %arg5[%swap3A], %broadcast_in_dim3A_3 {strides = array<i32>} : memref<256xi32, #tpu.memory_space<vmem>>, vector<16xi32>,
    }
    %scan3A_7 = arith.constant 16 : i32
    %scan3A_8 = arith.constant 0 : i32
    %scan3A_9 = arith.constant 32 : i32
    %scan3A_10 = arith.addi %scan3A_8, %scan3A_9 : i32
    %scan3A_11 = arith.constant 1 : i32
    scf.for %scan3A_13 = %scan3A_8 to %scan3A_10 step %scan3A_11  : i32 {
      %mul3A_14 = arith.constant 16 : i32
      %mul3A_15 = arith.muli %scan3A_13, %mul3A_14 : i32
      %add3A_16 = arith.constant 0 : i32
      %add3A_17 = arith.addi %add3A_16, %mul3A_15 : i32
      %get3A = arith.index_cast %add3A_17 : i32 to index
      %get3A_18 = tpu.vector_load %arg4[%get3A] {strides = array<i32>} : memref<512xi32, #tpu.memory_space<vmem>>, vector<16xi32>,
      %broadcast_in_dim3A_19 = arith.constant true
      %broadcast_in_dim3A_20 = vector.broadcast %broadcast_in_dim3A_19 : i1 to vector<16xi1>
      %unique3A, %unique3A_21 = tpu.scan_count mask(%broadcast_in_dim3A_20 : vector<16xi1>) value(%get3A_18 : vector<16xi32>) : vector<16xi1>, vector<16xi32>
      tpu.vector_store_idx %arg5[%get3A_18], %unique3A_21 masked %unique3A {add = true} : memref<256xi32, #tpu.memory_space<vmem>>[vector<16xi32>], vector<16xi32>, vector<16xi1>
    }
    %scan3A_12 = arith.constant 32 : i32
    "tpu.region"() ({
      %run_scoped3A = tpu.sem_alloc : memref<!tpu.dma_semaphore, #tpu.memory_space<semaphore_mem>>
      %dma_start3A = arith.constant 0 : i32
      %dma_start3A_13 = tpu.memref_slice %arg3[%add3A, %dma_start3A] : memref<16x256xi32, #tpu.memory_space<hbm>> -> memref<1x256xi32, #tpu.memory_space<hbm>>
      %dma_start3A_14 = tpu.memref_squeeze %dma_start3A_13 : memref<1x256xi32, #tpu.memory_space<hbm>> -> memref<256xi32, #tpu.memory_space<hbm>>
      %dma_start3A_15 = arith.constant 0 : i32
      %dma_start3A_16 = tpu.memref_slice %arg3[%add3A, %dma_start3A_15] : memref<16x256xi32, #tpu.memory_space<hbm>> -> memref<1x256xi32, #tpu.memory_space<hbm>>
      %dma_start3A_17 = tpu.memref_squeeze %dma_start3A_16 : memref<1x256xi32, #tpu.memory_space<hbm>> -> memref<256xi32, #tpu.memory_space<hbm>>
      tpu.enqueue_dma source(%arg5 : memref<256xi32, #tpu.memory_space<vmem>>) target(%dma_start3A_17 : memref<256xi32, #tpu.memory_space<hbm>>) target_semaphore(%run_scoped3A : memref<!tpu.dma_semaphore, #tpu.memory_space<semaphore_mem>>)
      %dma_wait3A = arith.constant 0 : i32
      %dma_wait3A_18 = tpu.memref_slice %arg3[%add3A, %dma_wait3A] : memref<16x256xi32, #tpu.memory_space<hbm>> -> memref<1x256xi32, #tpu.memory_space<hbm>>
      %dma_wait3A_19 = tpu.memref_squeeze %dma_wait3A_18 : memref<1x256xi32, #tpu.memory_space<hbm>> -> memref<256xi32, #tpu.memory_space<hbm>>
      %dma_wait3A_20 = arith.constant 0 : i32
      %dma_wait3A_21 = tpu.memref_slice %arg3[%add3A, %dma_wait3A_20] : memref<16x256xi32, #tpu.memory_space<hbm>> -> memref<1x256xi32, #tpu.memory_space<hbm>>
      %dma_wait3A_22 = tpu.memref_squeeze %dma_wait3A_21 : memref<1x256xi32, #tpu.memory_space<hbm>> -> memref<256xi32, #tpu.memory_space<hbm>>
      tpu.wait_dma2 semaphore(%run_scoped3A : memref<!tpu.dma_semaphore, #tpu.memory_space<semaphore_mem>>) src(%arg5 : memref<256xi32, #tpu.memory_space<vmem>>) dst(%dma_wait3A_22 : memref<256xi32, #tpu.memory_space<hbm>>)
      tpu.yield
    }) : () -> ()
    return
  }
}

module attributes {stable_mosaic.version = 14 : i64} {
  func.func @body(%arg0: memref<16x256xi32, #tpu.memory_space<vmem>>, %arg1: memref<256x64xf32, #tpu.memory_space<vmem>>, %arg2: memref<64x64xf32, #tpu.memory_space<vmem>>, %arg3: memref<64xf32, #tpu.memory_space<vmem>>, %arg4: memref<8x64xf32, #tpu.memory_space<vmem>>, %arg5: memref<8xf32, #tpu.memory_space<vmem>>, %arg6: memref<8xf32, #tpu.memory_space<vmem>>) attributes {dimension_semantics = [], scalar_prefetch = 0 : i64, scratch_operands = 0 : i64, tpu.core_type = #tpu.core_type<tc>} {
    %get3A = arith.constant 0 : index
    %get3A_0 = arith.constant 0 : index
    %get3A_1 = vector.load %arg0[%get3A, %get3A_0] : memref<16x256xi32, #tpu.memory_space<vmem>>, vector<16x256xi32>
    %convert_element_type3A = arith.sitofp %get3A_1 : vector<16x256xi32> to vector<16x256xf32>
    %reduce_sum3A = arith.constant dense<0.000000e+00> : vector<256xf32>
    %reduce_sum3A_2 = vector.multi_reduction <add>, %convert_element_type3A, %reduce_sum3A [0] : vector<16x256xf32> to vector<256xf32>
    %broadcast_in_dim3A = vector.shape_cast %reduce_sum3A_2 : vector<256xf32> to vector<1x256xf32>
    %get3A_3 = arith.constant 0 : index
    %get3A_4 = arith.constant 0 : index
    %get3A_5 = vector.load %arg1[%get3A_3, %get3A_4] : memref<256x64xf32, #tpu.memory_space<vmem>>, vector<256x64xf32>
    %dot_general3A = arith.constant dense<0.000000e+00> : vector<1x64xf32>
    %dot_general3A_6 = tpu.matmul %broadcast_in_dim3A, %get3A_5, %dot_general3A {dimension_numbers = #tpu.dot_dimension_numbers<[1], [0], [0], [1], [0, 0, 1, 1], [], []>, precision = #tpu.contract_precision<fp32>, transpose_lhs_hint = false} : vector<1x256xf32>, vector<256x64xf32>, vector<1x64xf32> -> vector<1x64xf32>
    %mul3A = arith.constant 1.22070313E-4 : f32
    %mul3A_7 = vector.broadcast %mul3A : f32 to vector<1x64xf32>
    %mul3A_8 = arith.mulf %dot_general3A_6, %mul3A_7 : vector<1x64xf32>
    %get3A_9 = arith.constant 0 : index
    %get3A_10 = arith.constant 0 : index
    %get3A_11 = vector.load %arg2[%get3A_9, %get3A_10] : memref<64x64xf32, #tpu.memory_space<vmem>>, vector<64x64xf32>
    %dot_general3A_12 = arith.constant dense<0.000000e+00> : vector<1x64xf32>
    %dot_general3A_13 = tpu.matmul %mul3A_8, %get3A_11, %dot_general3A_12 {dimension_numbers = #tpu.dot_dimension_numbers<[1], [1], [0], [0], [0, 0, 1, 0], [], []>, transpose_lhs_hint = false} : vector<1x64xf32>, vector<64x64xf32>, vector<1x64xf32> -> vector<1x64xf32>
    %get3A_14 = arith.constant 0 : index
    %get3A_15 = vector.load %arg3[%get3A_14] : memref<64xf32, #tpu.memory_space<vmem>>, vector<64xf32>
    %broadcast_in_dim3A_16 = vector.shape_cast %get3A_15 : vector<64xf32> to vector<1x64xf32>
    %add3A = arith.addf %dot_general3A_13, %broadcast_in_dim3A_16 : vector<1x64xf32>
    %max3A = arith.constant 0.000000e+00 : f32
    %max3A_17 = vector.broadcast %max3A : f32 to vector<1x64xf32>
    %max3A_18 = arith.maximumf %add3A, %max3A_17 : vector<1x64xf32>
    %get3A_19 = arith.constant 0 : index
    %get3A_20 = arith.constant 0 : index
    %get3A_21 = vector.load %arg4[%get3A_19, %get3A_20] : memref<8x64xf32, #tpu.memory_space<vmem>>, vector<8x64xf32>
    %dot_general3A_22 = arith.constant dense<0.000000e+00> : vector<1x8xf32>
    %dot_general3A_23 = tpu.matmul %max3A_18, %get3A_21, %dot_general3A_22 {dimension_numbers = #tpu.dot_dimension_numbers<[1], [1], [0], [0], [0, 0, 1, 0], [], []>, transpose_lhs_hint = false} : vector<1x64xf32>, vector<8x64xf32>, vector<1x8xf32> -> vector<1x8xf32>
    %get3A_24 = arith.constant 0 : index
    %get3A_25 = vector.load %arg5[%get3A_24] : memref<8xf32, #tpu.memory_space<vmem>>, vector<8xf32>
    %broadcast_in_dim3A_26 = vector.shape_cast %get3A_25 : vector<8xf32> to vector<1x8xf32>
    %add3A_27 = arith.addf %dot_general3A_23, %broadcast_in_dim3A_26 : vector<1x8xf32>
    %squeeze3A = vector.shape_cast %add3A_27 : vector<1x8xf32> to vector<8xf32>
    %swap3A = arith.constant 0 : index
    %swap3A_28 = vector.load %arg6[%swap3A] : memref<8xf32, #tpu.memory_space<vmem>>, vector<8xf32>
    tpu.vector_store %arg6[%swap3A], %squeeze3A {strides = array<i32>} : memref<8xf32, #tpu.memory_space<vmem>>, vector<8xf32>,
    return
  }
}

</mosaic_0001>

<sc_bundles>
// kernel: kernel.4.cloned.1.call-start
scs
__scs_entry_jumppad:
0x0: {  	(pc) =	sbr.rel $0x88, $3  }
0x1: {  	(tag) =	ssettag $0x0;
	lr =	simm.s32 $0x1  }
0x2: {  	[smem:$0x3F9B] =	sst lr;
	_ =	strace $0xD0000000  }
0x3: {  	_ = 	snop  }
0x4: {  	_ = 	snop  }
0x5: {  	_ = 	snop  }
0x6: {  	_ = 	snop  }
0x7: {  	_ = 	snop  }
__scs_overlays_trampoline_lowered:
0x8: {  	[smem:$0x3FAA] =	sst s0  }
0x9: {  	[smem:$0x3FAB] =	sst s1  }
0xa: {  	[smem:$0x3FAC] =	sst s2  }
0xb: {  	[smem:$0x3FAD] =	sst s3  }
0xc: {  	[smem:$0x3FAE] =	sst s4  }
0xd: {  	[smem:$0x3FAF] =	sst s5  }
0xe: {  	[smem:$0x3FB0] =	sst s6  }
0xf: {  	[smem:$0x3FB1] =	sst s7  }
0x10: {  	[smem:$0x3FB2] =	sst s8  }
0x11: {  	[smem:$0x3FB3] =	sst s9;
	s0 =	simm.s32 @!p0 $0x0  }
0x12: {  	s1 =	sld [smem:$0x3F99];
	s0 =	simm.s32 @p0 $0x1  }
0x13: {  	[smem:$0x3FB4] =	sst s0;
	s0 =	simm.s32 @!p1 $0x0  }
0x14: {  	s2 =	sld [smem:$0x3F98];
	s0 =	simm.s32 @p1 $0x1  }
0x15: {  	[smem:$0x3FB5] =	sst s0;
	s0 =	simm.s32 @!p2 $0x0  }
0x16: {  	s3 =	sld [smem:$0x3FDB];
	s0 =	simm.s32 @p2 $0x1  }
0x17: {  	s4 =	simm.s32 $0x1BF5;
	[smem:$0x3FB7] =	sst s0  }
0x18: {  	s0 =	sld [smem:$0x3F9A];
	_ =	swait.ge [sflag:s4], $0x0  }
0x19: {  	s7 =	sld [smem:$0x3F9B]  }
0x1a: {  	s8 =	sadd.s32 $0xFFFFE003, lr  }
0x1b: {  	s9 =	sadd.s32 $0xFFFFFEF7, lr;
	s5 =	simm.s32 $0xFFFFFFFF;
	p2 =	slt.u32 s8, $0xFFFFF086  }
0x1c: {  	p1 =	slt.u32 s9, $0xF7A;
	s5 =	simm.s32 @!p2 $0x0  }
0x1d: {  	s5 =	simm.s32 @p1 $0x1;
	p0 =	seq.s32 s7, s2  }
0x1e: {  	s7 =	smul.u32 @!p0 $0xF7A, s2;
	p2 =	seq.s32 @!p0 s5, $0x0  }
0x1f: {  	s9 =	smul.u32 $0xF7A, s1;
	s8 =	simm.s32 @!p0 $0x1BF5;
	p2 =	por !p2, p0  }
0x20: {  	[sflag:s8] =	ssyncset.s32 @!p0 $0xFFFFF086;
	s6 =	sadd.s32 @!p0 s3, s7;
	s7 =	simm.s32 @!p0 $0x108  }
0x21: {  	s3 =	sadd.s32 s3, s9;
	s6 =	sadd.s32 @!p0 $0x88, s6;
	s7 =	simm.s32 @p2 $0x1082  }
0x22: {  	[simem:s7], [sflag:s8] =	dma.local @!p0 [hbm:s6], $0xF7A  }
0x23: {  	s9 =	sor.u32 $0xD0000000, s2;
	s6 =	simm.s32 $0x108;
	_ =	swait.ge @!p0 [sflag:s8], $0x0  }
0x24: {  	s3 =	sadd.s32 $0x88, s3;
	s6 =	simm.s32 @!p1 $0x1082;
	[sflag:s4] =	ssyncset.s32 $0xFFFFF086  }
0x25: {  	[simem:s6], [sflag:s4] =	dma.local [hbm:s3], $0xF7A  }
0x26: {  	[smem:$0x3F9B] =	sst s1;
	(tag) =	ssettag s2;
	_ =	strace s9  }
0x27: {  	s1 =	sld [smem:$0x3FAB]  }
0x28: {  	s2 =	sld [smem:$0x3FAC]  }
0x29: {  	s4 =	sld [smem:$0x3FAE]  }
0x2a: {  	p0 =	seq.s32 s5, $0x0;
	s5 =	sld [smem:$0x3FAF]  }
0x2b: {  	s6 =	sld [smem:$0x3FB0]  }
0x2c: {  	s7 =	sld [smem:$0x3FB1]  }
0x2d: {  	s3 =	simm.s32 $0x108;
	s8 =	sld [smem:$0x3FB2]  }
0x2e: {  	s3 =	simm.s32 @!p0 $0x1082;
	s9 =	sld [smem:$0x3FB3]  }
0x2f: {  	lr =	sadd.s32 s0, s3;
	s0 =	sld [smem:$0x3FAA]  }
0x30: {  	s3 =	sld [smem:$0x3FAD]  }
0x31: {  	[smem:$0x3FB6] =	sst s10  }
0x32: {  	s10 =	sld [smem:$0x3FB4];
	_ =	sdelay $0x3  }
0x33: {  	p0 =	seq.s32 s10, $0x1;
	s10 =	sld [smem:$0x3FB6];
	_ =	sdelay $0x3  }
0x34: {  	[smem:$0x3FB6] =	sst s10  }
0x35: {  	s10 =	sld [smem:$0x3FB5];
	_ =	sdelay $0x3  }
0x36: {  	p1 =	seq.s32 s10, $0x1;
	s10 =	sld [smem:$0x3FB6];
	_ =	sdelay $0x3  }
0x37: {  	[smem:$0x3FB6] =	sst s10  }
0x38: {  	s10 =	sld [smem:$0x3FB7]  }
0x39: {  	_ = 	snop;
	(pc) =	sbr.ind lr, $3  }
0x3a: {  	_ = 	snop  }
0x3b: {  	_ = 	snop  }
0x3c: {  	p2 =	seq.s32 s10, $0x1;
	s10 =	sld [smem:$0x3FB6]  }
0x3d: {  	_ =	shalt  }
0x3e: {  	_ =	shalt  }
0x3f: {  	_ =	shalt  }
0x40: {  	_ =	shalt  }
0x41: {  	_ =	shalt  }
0x42: {  	_ =	shalt  }
0x43: {  	_ =	shalt  }
0x44: {  	_ =	shalt  }
0x45: {  	_ =	shalt  }
0x46: {  	_ =	shalt  }
0x47: {  	_ =	shalt  }
0x48: {  	_ =	shalt  }
0x49: {  	_ =	shalt  }
0x4a: {  	_ =	shalt  }
0x4b: {  	_ =	shalt  }
0x4c: {  	_ =	shalt  }
0x4d: {  	_ =	shalt  }
0x4e: {  	_ =	shalt  }
0x4f: {  	_ =	shalt  }
0x50: {  	_ =	shalt  }
0x51: {  	_ =	shalt  }
0x52: {  	_ =	shalt  }
0x53: {  	_ =	shalt  }
0x54: {  	_ =	shalt  }
0x55: {  	_ =	shalt  }
0x56: {  	_ =	shalt  }
0x57: {  	_ =	shalt  }
0x58: {  	_ =	shalt  }
0x59: {  	_ =	shalt  }
0x5a: {  	_ =	shalt  }
0x5b: {  	_ =	shalt  }
0x5c: {  	_ =	shalt  }
0x5d: {  	_ =	shalt  }
0x5e: {  	_ =	shalt  }
0x5f: {  	_ =	shalt  }
0x60: {  	_ =	shalt  }
0x61: {  	_ =	shalt  }
0x62: {  	_ =	shalt  }
0x63: {  	_ =	shalt  }
0x64: {  	_ =	shalt  }
0x65: {  	_ =	shalt  }
0x66: {  	_ =	shalt  }
0x67: {  	_ =	shalt  }
0x68: {  	_ =	shalt  }
0x69: {  	_ =	shalt  }
0x6a: {  	_ =	shalt  }
0x6b: {  	_ =	shalt  }
0x6c: {  	_ =	shalt  }
0x6d: {  	_ =	shalt  }
0x6e: {  	_ =	shalt  }
0x6f: {  	_ =	shalt  }
0x70: {  	_ =	shalt  }
0x71: {  	_ =	shalt  }
0x72: {  	_ =	shalt  }
0x73: {  	_ =	shalt  }
0x74: {  	_ =	shalt  }
0x75: {  	_ =	shalt  }
0x76: {  	_ =	shalt  }
0x77: {  	_ =	shalt  }
0x78: {  	_ =	shalt  }
0x79: {  	_ =	shalt  }
0x7a: {  	_ =	shalt  }
0x7b: {  	_ =	shalt  }
0x7c: {  	_ =	shalt  }
0x7d: {  	_ =	shalt  }
0x7e: {  	_ =	shalt  }
0x7f: {  	_ =	shalt  }
0x80: {  	_ =	shalt  }
0x81: {  	_ =	shalt  }
0x82: {  	_ =	shalt  }
0x83: {  	_ =	shalt  }
0x84: {  	_ =	shalt  }
0x85: {  	_ =	shalt  }
0x86: {  	_ =	shalt  }
0x87: {  	_ =	shalt  }
.Lfunc_end0:
.L_simem_size_0:
called_computation_lowered:
.L_overlay_start_0:
0x88: {  	s0 =	sld [smem:$0x3FD9]  }
0x89: {  	s1 =	sld [smem:$0x3FFE];
	_ =	sdelay $0x3  }
0x8a: {  	s0 =	sadd.s32 s1, s0  }
0x8b: {  	[smem:$0x3FC2] =	sst s0  }
0x8c: {  	_ = 	snop  }
0x8d: {  	s0 =	sld [smem:$0x3FC9];
	(tm) =	ssettm $0x1  }
0x8e: {  	s16 =	sld [smem:$0x3FFB];
	_ =	sdelay $0x3  }
0x8f: {  	_ =	strace s16  }
0x90: {  	s1 =	sld [smem:$0x3FFC];
	_ =	sdelay $0x3  }
0x91: {  	_ =	strace s1  }
0x92: {  	s1 =	sld [smem:$0x3FFD];
	_ =	sdelay $0x3  }
0x93: {  	_ =	strace s1  }
0x94: {  	_ =	strace $0x8FFFFFFF  }
0x95: {  	s17 =	sld [smem:$0x3FDB];
	_ =	sdelay $0x1  }
0x96: {  	s2 =	simm.s32 $_scs_section_size  }
0x97: {  	s3 =	simm.s32 $_size__tile_overlayer_lowered;
	s4 =	simm.s32 $_tile_overlayer_lowered  }
0x98: {  	s20 =	simm.s32 $0x1BFF;
	s19 =	sshll.u32 s4, $0x1;
	s1 =	sadd.s32 s2, s17  }
0x99: {  	s5 =	simm.s32 $0x0;
	s18 =	sshll.u32 s3, $0x1;
	s3 =	sadd.s32 s19, s1  }
0x9a: {  	[timem:s5], [sflag:s20] =	dma.local [hbm:s3], s18  }
0x9b: {  	_ =	swait.ge [sflag:s20], s18  }
0x9c: {  	s2 =	ssub.s32 $0x0, s18;
	[sflag:s20] =	ssyncset.done $0x0  }
0x9d: {  	[sflag:s20] =	ssyncadd.s32 s2;
	_ =	sdelay $0x1  }
0x9e: {  	s21 =	simm.s32 $0x1B8B  }
0x9f: {  	_ =	swait.ge [sflag:s21], $0x1  }
0xa0: {  	[sflag:s21] =	ssyncset.done $0x0  }
0xa1: {  	s23 =	simm.s32 $0x1B8E;
	s22 =	sld [smem:$0x3FFE];
	[sflag:s21] =	ssyncadd.s32 $0xFFFFFFFF  }
0xa2: {  	s24 =	simm.s32 $execute0_lowered;
	[smem:$0x3FD2] =	sst s23  }
0xa3: {  	s3 =	sshll.u32 s24, $0x1;
	_ =	strace $0x80000046;
	[dreg:$0x1] =	wrdreg $0xFFFFFFFF  }
0xa4: {  	s25 =	simm.s32 $_size_execute0_lowered;
	s1 =	sadd.s32 s1, s3;
	[dreg:$0x0] =	wrdreg $0x0  }
0xa5: {  	s3 =	sshll.u32 s25, $0x1;
	[dreg:$0x2] =	wrdreg s1  }
0xa6: {  	[dreg:$0x3] =	wrdreg s3  }
0xa7: {  	[dreg:$0x4] =	wrdreg $0xC0  }
0xa8: {  	_ =	task [dreg:s5], $0x5FFFF  }
0xa9: {  	[dreg:$0x1] =	wrdreg $0xFFFFFFFF  }
0xaa: {  	[dreg:$0x0] =	wrdreg $0x60  }
0xab: {  	[dreg:$0x2] =	wrdreg s0  }
0xac: {  	[dreg:$0x3] =	wrdreg s22  }
0xad: {  	[dreg:$0x4] =	wrdreg $0x9  }
0xae: {  	_ =	task.clear_ibuf [dreg:s5], $0x5FFFF;
	_ =	strace $0x90000046  }
0xaf: {  	s26 =	simm.s32 $0x9;
	_ =	strace $0x80000048  }
0xb0: {  	_ =	swait.ge [sflag:s26], $0x1  }
0xb1: {  	[sflag:s26] =	ssyncadd.s32 $0xFFFFFFFF  }
0xb2: {  	_ =	strace $0x90000048  }
0xb3: {  	_ =	sfence  }
0xb4: {  	s28 =	sld [smem:$0x0];
	_ =	sdelay $0x1  }
0xb5: {  	s29 =	srdreg.scid  }
0xb6: {  	s30 =	sshll.u32 s29, $0xD;
	s31 =	sshrl.u32 s29, $0x2  }
0xb7: {  	s2 =	sand.u32 $0x4000, s30;
	s1 =	sand.u32 $0x1, s29;
	s0 =	sadd.s32 s31, s28  }
0xb8: {  	s1 =	sor.u32 s2, s1;
	s0 =	sshll.u32 s0, $0x11  }
0xb9: {  	s0 =	sor.u32 s0, s1  }
0xba: {  	s0 =	sadd.s32 $0x8F2B, s0  }
0xbb: {  	[sflag:s0] =	ssyncadd.remote.s32 $0x1  }
0xbc: {  	_ =	sfence.sel $0xFFFF  }
0xbd: {  	[dreg:$0x0] =	wrdreg $0xFFFFFFFF;
	(pc) =	sbr.abs _section_cstart, $3  }
0xbe: {  	[dreg:$0x1] =	wrdreg $0xFFFFFFFF  }
0xbf: {  	_ =	task.clear_ibuf [dreg:s5], $0x2FFFF;
	_ =	strace $0x9FFFFFFF  }
0xc0: {  	(tm) =	ssettm $0x7FFFFFFF  }
0xc1: {  	_ =	shalt  }
tec
execute0_lowered:
.L_overlay_start_1:
0x0: {  	(tag) =	ssettag $0x1  }
0x1: {  	s2 =	rddreg [dreg:$0x0]  }
0x2: {  	s3 =	rddreg [dreg:$0x1]  }
0x3: {  	s0 =	rddreg [dreg:$0x2];
	s4 =	simm.s32 $0x0;
	s1 =	stileid.u32  }
0x4: {  	[smem:$0x7FF] =	sst s4;
	s5 =	sshll.u32 s1, $0x6  }
0x5: {  	s31 =	simm.s32 $0x1;
	_ =	strace $0x80000047;
	s2 =	sadd.s32 s2, s5  }
0x6: {  	[tilespmem:s4], [sflag:$0x1] =	stream.linear.gather [hbm4b:s2+s4], $0x200, $0x38;
	[tilespmem:$0x300] =	vst v63  }
0x7: {  	_ =	swait.ge [sflag:s31], $0x200  }
0x8: {  	[sflag:s31] =	ssyncset.done $0x0  }
0x9: {  	v0 =	vimm.s32 $0x0;
	[sflag:s31] =	ssyncadd.s32 $0xFFFFFE00  }
0xa: {  	[tilespmem:$0x200] =	vst v0  }
0xb: {  	[tilespmem:$0x210] =	vst v0  }
0xc: {  	[tilespmem:$0x220] =	vst v0  }
0xd: {  	[tilespmem:$0x230] =	vst v0  }
0xe: {  	[tilespmem:$0x240] =	vst v0  }
0xf: {  	[tilespmem:$0x250] =	vst v0  }
0x10: {  	[tilespmem:$0x260] =	vst v0  }
0x11: {  	[tilespmem:$0x270] =	vst v0  }
0x12: {  	[tilespmem:$0x280] =	vst v0  }
0x13: {  	[tilespmem:$0x290] =	vst v0  }
0x14: {  	[tilespmem:$0x2A0] =	vst v0  }
0x15: {  	[tilespmem:$0x2B0] =	vst v0  }
0x16: {  	[tilespmem:$0x2C0] =	vst v0  }
0x17: {  	[tilespmem:$0x2D0] =	vst v0  }
0x18: {  	s5 =	simm.s32 $0x0;
	[tilespmem:$0x2E0] =	vst v0  }
0x19: {  	s2 =	sadd.s32 $0x1000, s3;
	s3 =	simm.s32 $0x200;
	s4 =	simm.s32 $0x40;
	[tilespmem:$0x2F0] =	vst v0  }
.LBB2_1:
0x1a: {  	p0 =	sne.s32 s4, $0x7C0;
	v0 =	vld [tilespmem:s5+$0x0];
	_ =	sdelay $0x4  }
0x1b: {  	(xrf1) =	vunique.msk.u32 $0xffff, v0;
	_ =	sdelay $0xd  }
0x1c: {  	_, v1, vm0 =	vpop (xrf1);
	_ =	sdelay $0x1  }
.Ltmp0:
0x1d: {  	(pc) =	sbr.rel @p0 .LBB2_1-.Ltmp0, $2  }
0x1e: {  	_ =	sdelay $0x2  }
0x1f: {  	s5 =	sshra.s32 s4, $0x2;
	s4 =	sadd.s32 $0x40, s4;
	[tilespmem:v0+s3+$0x0] =	vst.idx.add.s32.msk vm0, v1  }
0x20: {  	v0 =	vld [tilespmem:s5+$0x0];
	_ =	sdelay $0x4  }
0x21: {  	(xrf1) =	vunique.msk.u32 $0xffff, v0;
	_ =	sdelay $0xd  }
0x22: {  	_, v1, vm0 =	vpop (xrf1);
	_ =	sdelay $0x2  }
0x23: {  	s4 =	sshll.u32 s1, $0x4  }
0x24: {  	s26 =	sshll.u32 s1, $0x5;
	s28 =	simm.s32 $0x80;
	s4 =	sand.u32 $0x70, s4  }
0x25: {  	s29 =	simm.s32 $0x400;
	s5 =	sand.u32 $0x100, s26;
	s2 =	sadd.s32 s2, s4  }
0x26: {  	s30 =	simm.s32 $0x200;
	s31 =	simm.s32 $0x1;
	s2 =	sadd.s32 s5, s2;
	[tilespmem:v0+s3+$0x0] =	vst.idx.add.s32.msk vm0, v1  }
0x27: {  	[hbm4b:s2+s28] =	stream.strided.scatter [tilespmem:s30], [sflag:$0x1], $0x100, s29, s28, $0x38;
	[tilespmem:$0x300] =	vst v63  }
0x28: {  	_ =	swait.ge [sflag:s31], $0x100  }
0x29: {  	[sflag:s31] =	ssyncset.done $0x0  }
0x2a: {  	[sflag:s31] =	ssyncadd.s32 $0xFFFFFF00  }
0x2b: {  	_ =	sfence.sel $0x180000  }
0x2c: {  	[bflag:$0x0] =	sbarrier.arrive $0xFFFF  }
0x2d: {  	p0 =	sne.s32 s1, $0x0;
	_ =	strace $0x90000047  }
0x2e: {  	s0 =	sadd.s32 @!p0 $0x100000, s0;
	[bflag:$0x2] =	sbarrier.arrive $0xFFFF  }
0x2f: {  	[sflag:s0] =	ssyncadd.tile.s32 @!p0 $0x1;
	_ =	shalt  }
.Lfunc_end2:
_tile_overlayer_lowered:
.L_overlay_start_2:
0x30: {  	(tag) =	ssettag $0x2  }
0x31: {  	s0 =	rddreg [dreg:$0x0];
	s2 =	stileid.u32  }
0x32: {  	s1 =	rddreg [dreg:$0x1];
	p0 =	sne.s32 s2, $0x0  }
0x33: {  	s3 =	rddreg [dreg:$0x2];
	[bflag:$0x3] =	sbarrier.arrive $0xFFFF;
	s2 =	simm.s32 @!p0 $0x1C01  }
0x34: {  	[timem:s3], [sflag:s2] =	dma.local @!p0 [hbm:s0], s1  }
0x35: {  	s0 =	simm.s32 @!p0 $0x1  }
0x36: {  	_ =	swait.ge @!p0 [sflag:s0], s1  }
0x37: {  	s1 =	ssub.s32 @!p0 $0x0, s1;
	[sflag:s0] =	ssyncset.done @!p0 $0x0  }
0x38: {  	[sflag:s0] =	ssyncadd.s32 @!p0 s1  }
0x39: {  	[bflag:$0x3] =	sbarrier.arrive $0xFFFF  }
0x3a: {  	_ =	shalt  }

</sc_bundles>
